<compile_context>
chip_gen: v7x
topology: tpu7x:2x2x1
jax: 0.10.2.dev20260603
libtpu: 0.0.44.dev20260713+nightly
codegen_flags: <defaults>
</compile_context>

<pallas_src>
import functools

import jax
import jax.numpy as jnp
from jax import lax
from jax.experimental import pallas as pl
from jax.experimental.pallas import tpu as pltpu
from jax.experimental.pallas import tpu_sc as plsc

_LAMDA = 0.9
_B = 16384
_C = 1000
_NC = 2
_NS = 16
_NW = _NC * _NS
_BPW = _B // _NW
_L = 16
_CHUNKS = _BPW // _L


def _loss_body(flat_hbm, action_hbm, delta_hbm, prop_hbm, out_hbm,
               act_v, delta_v, prop_v, idx_v, sel_v, part_v, sem, sem_in):
    cid = lax.axis_index("c")
    sid = lax.axis_index("s")
    wid = sid * _NC + cid
    base = pl.multiple_of(wid * _BPW, _BPW)

    dp_copies = [
        pltpu.async_copy(delta_hbm.at[pl.ds(base, _BPW)], delta_v, sem_in),
        pltpu.async_copy(prop_hbm.at[pl.ds(base, _BPW)], prop_v, sem_in),
    ]
    pltpu.sync_copy(action_hbm.at[pl.ds(base, _BPW)], act_v)

    lane = lax.iota(jnp.int32, _L)

    def _idx_body(j, carry):
        sl = pl.ds(j * _L, _L)
        a = act_v[sl]
        r = (base + j * _L) + lane
        wa = ((lax.shift_right_logical(a, 3) * 1024
               + lax.shift_right_logical(r, 7) * 8
               + jnp.bitwise_and(a, 7)) * 128
              + jnp.bitwise_and(r, 127))
        idx_v[sl] = wa
        return carry

    lax.fori_loop(0, _CHUNKS, _idx_body, 0, unroll=1)

    gather = pltpu.async_copy(flat_hbm.at[idx_v], sel_v, sem)
    for c in dp_copies:
        c.wait()
    gather.wait()

    def _acc_body(j, acc):
        sl = pl.ds(j * _L, _L)
        return acc + (-delta_v[sl] - _LAMDA) * (sel_v[sl] / prop_v[sl])

    acc = lax.fori_loop(0, _CHUNKS, _acc_body,
                        jnp.zeros((_L,), jnp.float32), unroll=1)
    part_v[...] = acc * (1.0 / _B)

    pltpu.sync_copy(part_v, out_hbm.at[wid])


@functools.partial(
    pl.kernel,
    out_type=jax.ShapeDtypeStruct((_NW, _L), jnp.float32),
    mesh=plsc.VectorSubcoreMesh(
        core_axis_name="c", subcore_axis_name="s",
        num_cores=_NC, num_subcores=_NS,
    ),
    scratch_types=[
        pltpu.VMEM((_BPW,), jnp.int32),
        pltpu.VMEM((_BPW,), jnp.float32),
        pltpu.VMEM((_BPW,), jnp.float32),
        pltpu.VMEM((_BPW,), jnp.int32),
        pltpu.VMEM((_BPW,), jnp.float32),
        pltpu.VMEM((_L,), jnp.float32),
        pltpu.SemaphoreType.DMA,
        pltpu.SemaphoreType.DMA,
    ],
    compiler_params=pltpu.CompilerParams(needs_layout_passes=False),
)
def _sc_loss(flat_hbm, action_hbm, delta_hbm, prop_hbm, out_hbm,
             act_v, delta_v, prop_v, idx_v, sel_v, part_v, sem, sem_in):
    _loss_body(flat_hbm, action_hbm, delta_hbm, prop_hbm, out_hbm,
               act_v, delta_v, prop_v, idx_v, sel_v, part_v, sem, sem_in)


@jax.jit
def kernel(output, action, delta, prop):
    t = output.T.reshape(_C // 8, 8, _B // 128, 128)
    flat = t.transpose(0, 2, 1, 3).reshape(_B * _C)
    act = action.astype(jnp.int32)
    parts = _sc_loss(flat, act, delta, prop)
    return jnp.sum(parts)

# --- scband reference (transcript-rebuilt; emitter-appended) ---
"""Pipeline reference for scband-custom-loss-3925600109106 (READ-ONLY COPY).

The authoritative reference and input builder live on the scoring server;
editing this copy changes nothing except your own understanding.
"""

import jax, jax.numpy as jnp
import numpy as np

LAMDA = 0.9

def setup_inputs(seed: int = 0) -> dict:
    key = jax.random.key(seed)
    k1, k2, k3, k4 = jax.random.split(key, 4)
    output = jax.random.normal(k1, (16384, 1000), dtype=jnp.float32)
    action = jax.random.randint(k2, (16384,), 0, 1000, dtype=jnp.int64) if jax.config.jax_enable_x64 else jax.random.randint(k2, (16384,), 0, 1000, dtype=jnp.int32)
    delta = jax.random.normal(k3, (16384,), dtype=jnp.float32)
    prop = jax.random.uniform(k4, (16384,), dtype=jnp.float32)
    return {"output": output, "action": action, "delta": delta, "prop": prop}

def reference(output, action, delta, prop):
    risk = -delta
    sel = output[jnp.arange(action.shape[0]), action]
    loss = (risk - LAMDA) * (sel / prop)
    return jnp.mean(loss)

if __name__ == "__main__":
    import jax
    _d = setup_inputs()
    print(jax.jit(kernel)(*tuple(_d.values())))

</pallas_src>

<mosaic_0001>
#map = affine_map<(d0, d1) -> (0)>
#map1 = affine_map<(d0, d1) -> (0, 0)>
module attributes {stable_mosaic.version = 14 : i64} {
  func.func @_sc_loss(%arg0: i32, %arg1: i32, %arg2: memref<16384000xf32, #tpu.memory_space<hbm>>, %arg3: memref<16384xi32, #tpu.memory_space<hbm>>, %arg4: memref<16384xf32, #tpu.memory_space<hbm>>, %arg5: memref<16384xf32, #tpu.memory_space<hbm>>, %arg6: memref<32x16xf32, #tpu.memory_space<hbm>>, %arg7: memref<512xi32, #tpu.memory_space<vmem>>, %arg8: memref<512xf32, #tpu.memory_space<vmem>>, %arg9: memref<512xf32, #tpu.memory_space<vmem>>, %arg10: memref<512xi32, #tpu.memory_space<vmem>>, %arg11: memref<512xf32, #tpu.memory_space<vmem>>, %arg12: memref<16xf32, #tpu.memory_space<vmem>>, %arg13: memref<!tpu.dma_semaphore, #tpu.memory_space<semaphore_mem>>, %arg14: memref<!tpu.dma_semaphore, #tpu.memory_space<semaphore_mem>>) attributes {dimension_semantics = [#tpu.dimension_semantics<core_parallel>, #tpu.dimension_semantics<subcore_parallel>], iteration_bounds = array<i64: 2, 16>, scalar_prefetch = 0 : i64, scratch_operands = 8 : i64, tpu.core_type = #tpu.core_type<sc_vector_subcore>, window_params = [{transform_indices = #map}, {transform_indices = #map}, {transform_indices = #map}, {transform_indices = #map}, {transform_indices = #map1}]} {
    %mul3A = arith.constant 2 : i32
    %mul3A_0 = arith.muli %arg1, %mul3A : i32
    %add3A = arith.addi %mul3A_0, %arg0 : i32
    %mul3A_1 = arith.constant 512 : i32
    %mul3A_2 = arith.muli %add3A, %mul3A_1 : i32
    %multiple_of3A = tpu.assume_multiple %mul3A_2, 512 : i32
    %dma_start3A = tpu.memref_slice %arg4[%multiple_of3A] : memref<16384xf32, #tpu.memory_space<hbm>> -> memref<512xf32, #tpu.memory_space<hbm>>
    %dma_start3A_3 = tpu.memref_slice %arg4[%multiple_of3A] : memref<16384xf32, #tpu.memory_space<hbm>> -> memref<512xf32, #tpu.memory_space<hbm>>
    tpu.enqueue_dma source(%dma_start3A_3 : memref<512xf32, #tpu.memory_space<hbm>>) target(%arg8 : memref<512xf32, #tpu.memory_space<vmem>>) target_semaphore(%arg14 : memref<!tpu.dma_semaphore, #tpu.memory_space<semaphore_mem>>)
    %dma_start3A_4 = tpu.memref_slice %arg5[%multiple_of3A] : memref<16384xf32, #tpu.memory_space<hbm>> -> memref<512xf32, #tpu.memory_space<hbm>>
    %dma_start3A_5 = tpu.memref_slice %arg5[%multiple_of3A] : memref<16384xf32, #tpu.memory_space<hbm>> -> memref<512xf32, #tpu.memory_space<hbm>>
    tpu.enqueue_dma source(%dma_start3A_5 : memref<512xf32, #tpu.memory_space<hbm>>) target(%arg9 : memref<512xf32, #tpu.memory_space<vmem>>) target_semaphore(%arg14 : memref<!tpu.dma_semaphore, #tpu.memory_space<semaphore_mem>>)
    "tpu.region"() ({
      %run_scoped3A = tpu.sem_alloc : memref<!tpu.dma_semaphore, #tpu.memory_space<semaphore_mem>>
      %dma_start3A_29 = tpu.memref_slice %arg3[%multiple_of3A] : memref<16384xi32, #tpu.memory_space<hbm>> -> memref<512xi32, #tpu.memory_space<hbm>>
      %dma_start3A_30 = tpu.memref_slice %arg3[%multiple_of3A] : memref<16384xi32, #tpu.memory_space<hbm>> -> memref<512xi32, #tpu.memory_space<hbm>>
      tpu.enqueue_dma source(%dma_start3A_30 : memref<512xi32, #tpu.memory_space<hbm>>) target(%arg7 : memref<512xi32, #tpu.memory_space<vmem>>) target_semaphore(%run_scoped3A : memref<!tpu.dma_semaphore, #tpu.memory_space<semaphore_mem>>)
      %dma_wait3A_31 = tpu.memref_slice %arg3[%multiple_of3A] : memref<16384xi32, #tpu.memory_space<hbm>> -> memref<512xi32, #tpu.memory_space<hbm>>
      %dma_wait3A_32 = tpu.memref_slice %arg3[%multiple_of3A] : memref<16384xi32, #tpu.memory_space<hbm>> -> memref<512xi32, #tpu.memory_space<hbm>>
      tpu.wait_dma2 semaphore(%run_scoped3A : memref<!tpu.dma_semaphore, #tpu.memory_space<semaphore_mem>>) src(%dma_wait3A_32 : memref<512xi32, #tpu.memory_space<hbm>>) dst(%arg7 : memref<512xi32, #tpu.memory_space<vmem>>)
      tpu.yield
    }) : () -> ()
    %iota3A = tpu.iota {dimensions = array<i32: 0>} : vector<16xi32>
    %scan3A = arith.constant 0 : i32
    %scan3A_6 = arith.constant 0 : i32
    %scan3A_7 = arith.constant 32 : i32
    %scan3A_8 = arith.addi %scan3A_6, %scan3A_7 : i32
    %scan3A_9 = arith.constant 1 : i32
    scf.for %scan3A_29 = %scan3A_6 to %scan3A_8 step %scan3A_9  : i32 {
      %mul3A_30 = arith.constant 16 : i32
      %mul3A_31 = arith.muli %scan3A_29, %mul3A_30 : i32
      %get3A = arith.index_cast %mul3A_31 : i32 to index
      %get3A_32 = tpu.vector_load %arg7[%get3A] {strides = array<i32>} : memref<512xi32, #tpu.memory_space<vmem>>, vector<16xi32>,
      %mul3A_33 = arith.constant 16 : i32
      %mul3A_34 = arith.muli %scan3A_29, %mul3A_33 : i32
      %add3A_35 = arith.addi %multiple_of3A, %mul3A_34 : i32
      %add3A_36 = vector.broadcast %add3A_35 : i32 to vector<16xi32>
      %add3A_37 = arith.addi %add3A_36, %iota3A : vector<16xi32>
      %shift_right_logical3A = arith.constant 3 : i32
      %shift_right_logical3A_38 = vector.broadcast %shift_right_logical3A : i32 to vector<16xi32>
      %shift_right_logical3A_39 = arith.shrui %get3A_32, %shift_right_logical3A_38 : vector<16xi32>
      %mul3A_40 = arith.constant 1024 : i32
      %mul3A_41 = vector.broadcast %mul3A_40 : i32 to vector<16xi32>
      %mul3A_42 = arith.muli %shift_right_logical3A_39, %mul3A_41 : vector<16xi32>
      %shift_right_logical3A_43 = arith.constant 7 : i32
      %shift_right_logical3A_44 = vector.broadcast %shift_right_logical3A_43 : i32 to vector<16xi32>
      %shift_right_logical3A_45 = arith.shrui %add3A_37, %shift_right_logical3A_44 : vector<16xi32>
      %mul3A_46 = arith.constant 8 : i32
      %mul3A_47 = vector.broadcast %mul3A_46 : i32 to vector<16xi32>
      %mul3A_48 = arith.muli %shift_right_logical3A_45, %mul3A_47 : vector<16xi32>
      %add3A_49 = arith.addi %mul3A_42, %mul3A_48 : vector<16xi32>
      %and3A = arith.constant 7 : i32
      %and3A_50 = vector.broadcast %and3A : i32 to vector<16xi32>
      %and3A_51 = arith.andi %get3A_32, %and3A_50 : vector<16xi32>
      %add3A_52 = arith.addi %add3A_49, %and3A_51 : vector<16xi32>
      %mul3A_53 = arith.constant 128 : i32
      %mul3A_54 = vector.broadcast %mul3A_53 : i32 to vector<16xi32>
      %mul3A_55 = arith.muli %add3A_52, %mul3A_54 : vector<16xi32>
      %and3A_56 = arith.constant 127 : i32
      %and3A_57 = vector.broadcast %and3A_56 : i32 to vector<16xi32>
      %and3A_58 = arith.andi %add3A_37, %and3A_57 : vector<16xi32>
      %add3A_59 = arith.addi %mul3A_55, %and3A_58 : vector<16xi32>
      %swap3A_60 = arith.index_cast %mul3A_31 : i32 to index
      %swap3A_61 = tpu.vector_load %arg10[%swap3A_60] {strides = array<i32>} : memref<512xi32, #tpu.memory_space<vmem>>, vector<16xi32>,
      tpu.vector_store %arg10[%swap3A_60], %add3A_59 {strides = array<i32>} : memref<512xi32, #tpu.memory_space<vmem>>, vector<16xi32>,
    }
    %scan3A_10 = arith.constant 32 : i32
    %dma_start3A_11 = arith.constant 0 : i32
    %dma_start3A_12 = tpu.memref_slice %arg2[%dma_start3A_11] : memref<16384000xf32, #tpu.memory_space<hbm>> -> memref<16384000xf32, #tpu.memory_space<hbm>>
    tpu.enqueue_indirect_dma source(%dma_start3A_12 : memref<16384000xf32, #tpu.memory_space<hbm>>) target(%arg11 : memref<512xf32, #tpu.memory_space<vmem>>) offsets(%arg10 : memref<512xi32, #tpu.memory_space<vmem>>) semaphore(%arg13 : memref<!tpu.dma_semaphore, #tpu.memory_space<semaphore_mem>>)
    %dma_wait3A = tpu.memref_slice %arg4[%multiple_of3A] : memref<16384xf32, #tpu.memory_space<hbm>> -> memref<512xf32, #tpu.memory_space<hbm>>
    %dma_wait3A_13 = tpu.memref_slice %arg4[%multiple_of3A] : memref<16384xf32, #tpu.memory_space<hbm>> -> memref<512xf32, #tpu.memory_space<hbm>>
    tpu.wait_dma2 semaphore(%arg14 : memref<!tpu.dma_semaphore, #tpu.memory_space<semaphore_mem>>) src(%dma_wait3A_13 : memref<512xf32, #tpu.memory_space<hbm>>) dst(%arg8 : memref<512xf32, #tpu.memory_space<vmem>>)
    %dma_wait3A_14 = tpu.memref_slice %arg5[%multiple_of3A] : memref<16384xf32, #tpu.memory_space<hbm>> -> memref<512xf32, #tpu.memory_space<hbm>>
    %dma_wait3A_15 = tpu.memref_slice %arg5[%multiple_of3A] : memref<16384xf32, #tpu.memory_space<hbm>> -> memref<512xf32, #tpu.memory_space<hbm>>
    tpu.wait_dma2 semaphore(%arg14 : memref<!tpu.dma_semaphore, #tpu.memory_space<semaphore_mem>>) src(%dma_wait3A_15 : memref<512xf32, #tpu.memory_space<hbm>>) dst(%arg9 : memref<512xf32, #tpu.memory_space<vmem>>)
    %dma_wait3A_16 = arith.constant 0 : i32
    %dma_wait3A_17 = tpu.memref_slice %arg2[%dma_wait3A_16] : memref<16384000xf32, #tpu.memory_space<hbm>> -> memref<16384000xf32, #tpu.memory_space<hbm>>
    tpu.wait_indirect_dma semaphore(%arg13 : memref<!tpu.dma_semaphore, #tpu.memory_space<semaphore_mem>>) src(%dma_wait3A_17 : memref<16384000xf32, #tpu.memory_space<hbm>>) dst(%arg11 : memref<512xf32, #tpu.memory_space<vmem>>)
    %broadcast_in_dim3A = arith.constant 0.000000e+00 : f32
    %broadcast_in_dim3A_18 = vector.broadcast %broadcast_in_dim3A : f32 to vector<16xf32>
    %scan3A_19 = arith.constant 0 : i32
    %scan3A_20 = arith.constant 32 : i32
    %scan3A_21 = arith.addi %scan3A_19, %scan3A_20 : i32
    %scan3A_22 = arith.constant 1 : i32
    %scan3A_23 = scf.for %scan3A_29 = %scan3A_19 to %scan3A_21 step %scan3A_22 iter_args(%scan3A_30 = %broadcast_in_dim3A_18) -> (vector<16xf32>)  : i32 {
      %mul3A_31 = arith.constant 16 : i32
      %mul3A_32 = arith.muli %scan3A_29, %mul3A_31 : i32
      %get3A = arith.index_cast %mul3A_32 : i32 to index
      %get3A_33 = tpu.vector_load %arg8[%get3A] {strides = array<i32>} : memref<512xf32, #tpu.memory_space<vmem>>, vector<16xf32>,
      %neg3A = arith.constant 0.000000e+00 : f32
      %neg3A_34 = vector.broadcast %neg3A : f32 to vector<16xf32>
      %neg3A_35 = arith.subf %neg3A_34, %get3A_33 : vector<16xf32>
      %sub3A = arith.constant 0.899999976 : f32
      %sub3A_36 = vector.broadcast %sub3A : f32 to vector<16xf32>
      %sub3A_37 = arith.subf %neg3A_35, %sub3A_36 : vector<16xf32>
      %get3A_38 = arith.index_cast %mul3A_32 : i32 to index
      %get3A_39 = tpu.vector_load %arg11[%get3A_38] {strides = array<i32>} : memref<512xf32, #tpu.memory_space<vmem>>, vector<16xf32>,
      %get3A_40 = arith.index_cast %mul3A_32 : i32 to index
      %get3A_41 = tpu.vector_load %arg9[%get3A_40] {strides = array<i32>} : memref<512xf32, #tpu.memory_space<vmem>>, vector<16xf32>,
      %div3A = arith.divf %get3A_39, %get3A_41 : vector<16xf32>
      %mul3A_42 = arith.mulf %sub3A_37, %div3A : vector<16xf32>
      %add3A_43 = arith.addf %scan3A_30, %mul3A_42 : vector<16xf32>
      scf.yield %add3A_43 : vector<16xf32>
    }
    %scan3A_24 = arith.constant 32 : i32
    %mul3A_25 = arith.constant 6.10351563E-5 : f32
    %mul3A_26 = vector.broadcast %mul3A_25 : f32 to vector<16xf32>
    %mul3A_27 = arith.mulf %scan3A_23, %mul3A_26 : vector<16xf32>
    %swap3A = arith.constant 0 : index
    %swap3A_28 = tpu.vector_load %arg12[%swap3A] {strides = array<i32>} : memref<16xf32, #tpu.memory_space<vmem>>, vector<16xf32>,
    tpu.vector_store %arg12[%swap3A], %mul3A_27 {strides = array<i32>} : memref<16xf32, #tpu.memory_space<vmem>>, vector<16xf32>,
    "tpu.region"() ({
      %run_scoped3A = tpu.sem_alloc : memref<!tpu.dma_semaphore, #tpu.memory_space<semaphore_mem>>
      %dma_start3A_29 = arith.constant 0 : i32
      %dma_start3A_30 = tpu.memref_slice %arg6[%add3A, %dma_start3A_29] : memref<32x16xf32, #tpu.memory_space<hbm>> -> memref<1x16xf32, #tpu.memory_space<hbm>>
      %dma_start3A_31 = tpu.memref_squeeze %dma_start3A_30 : memref<1x16xf32, #tpu.memory_space<hbm>> -> memref<16xf32, #tpu.memory_space<hbm>>
      %dma_start3A_32 = arith.constant 0 : i32
      %dma_start3A_33 = tpu.memref_slice %arg6[%add3A, %dma_start3A_32] : memref<32x16xf32, #tpu.memory_space<hbm>> -> memref<1x16xf32, #tpu.memory_space<hbm>>
      %dma_start3A_34 = tpu.memref_squeeze %dma_start3A_33 : memref<1x16xf32, #tpu.memory_space<hbm>> -> memref<16xf32, #tpu.memory_space<hbm>>
      tpu.enqueue_dma source(%arg12 : memref<16xf32, #tpu.memory_space<vmem>>) target(%dma_start3A_34 : memref<16xf32, #tpu.memory_space<hbm>>) target_semaphore(%run_scoped3A : memref<!tpu.dma_semaphore, #tpu.memory_space<semaphore_mem>>)
      %dma_wait3A_35 = arith.constant 0 : i32
      %dma_wait3A_36 = tpu.memref_slice %arg6[%add3A, %dma_wait3A_35] : memref<32x16xf32, #tpu.memory_space<hbm>> -> memref<1x16xf32, #tpu.memory_space<hbm>>
      %dma_wait3A_37 = tpu.memref_squeeze %dma_wait3A_36 : memref<1x16xf32, #tpu.memory_space<hbm>> -> memref<16xf32, #tpu.memory_space<hbm>>
      %dma_wait3A_38 = arith.constant 0 : i32
      %dma_wait3A_39 = tpu.memref_slice %arg6[%add3A, %dma_wait3A_38] : memref<32x16xf32, #tpu.memory_space<hbm>> -> memref<1x16xf32, #tpu.memory_space<hbm>>
      %dma_wait3A_40 = tpu.memref_squeeze %dma_wait3A_39 : memref<1x16xf32, #tpu.memory_space<hbm>> -> memref<16xf32, #tpu.memory_space<hbm>>
      tpu.wait_dma2 semaphore(%run_scoped3A : memref<!tpu.dma_semaphore, #tpu.memory_space<semaphore_mem>>) src(%arg12 : memref<16xf32, #tpu.memory_space<vmem>>) dst(%dma_wait3A_40 : memref<16xf32, #tpu.memory_space<hbm>>)
      tpu.yield
    }) : () -> ()
    return
  }
}

</mosaic_0001>

<sc_bundles>
// kernel: kernel.3.cloned.1.call-start
scs
__scs_entry_jumppad:
0x0: {  	(pc) =	sbr.rel $0x88, $3  }
0x1: {  	(tag) =	ssettag $0x0;
	lr =	simm.s32 $0x1  }
0x2: {  	[smem:$0x3F9D] =	sst lr;
	_ =	strace $0xD0000000  }
0x3: {  	_ = 	snop  }
0x4: {  	_ = 	snop  }
0x5: {  	_ = 	snop  }
0x6: {  	_ = 	snop  }
0x7: {  	_ = 	snop  }
__scs_overlays_trampoline_lowered:
0x8: {  	[smem:$0x3FAC] =	sst s0  }
0x9: {  	[smem:$0x3FAD] =	sst s1  }
0xa: {  	[smem:$0x3FAE] =	sst s2  }
0xb: {  	[smem:$0x3FAF] =	sst s3  }
0xc: {  	[smem:$0x3FB0] =	sst s4  }
0xd: {  	[smem:$0x3FB1] =	sst s5  }
0xe: {  	[smem:$0x3FB2] =	sst s6  }
0xf: {  	[smem:$0x3FB3] =	sst s7  }
0x10: {  	[smem:$0x3FB4] =	sst s8  }
0x11: {  	[smem:$0x3FB5] =	sst s9;
	s0 =	simm.s32 @!p0 $0x0  }
0x12: {  	s1 =	sld [smem:$0x3F9B];
	s0 =	simm.s32 @p0 $0x1  }
0x13: {  	[smem:$0x3FB6] =	sst s0;
	s0 =	simm.s32 @!p1 $0x0  }
0x14: {  	s2 =	sld [smem:$0x3F9A];
	s0 =	simm.s32 @p1 $0x1  }
0x15: {  	[smem:$0x3FB7] =	sst s0;
	s0 =	simm.s32 @!p2 $0x0  }
0x16: {  	s3 =	sld [smem:$0x3FDB];
	s0 =	simm.s32 @p2 $0x1  }
0x17: {  	s4 =	simm.s32 $0x1BF5;
	[smem:$0x3FB9] =	sst s0  }
0x18: {  	s0 =	sld [smem:$0x3F9C];
	_ =	swait.ge [sflag:s4], $0x0  }
0x19: {  	s7 =	sld [smem:$0x3F9D]  }
0x1a: {  	s8 =	sadd.s32 $0xFFFFE003, lr  }
0x1b: {  	s9 =	sadd.s32 $0xFFFFFEF7, lr;
	s5 =	simm.s32 $0xFFFFFFFF;
	p2 =	slt.u32 s8, $0xFFFFF086  }
0x1c: {  	p1 =	slt.u32 s9, $0xF7A;
	s5 =	simm.s32 @!p2 $0x0  }
0x1d: {  	s5 =	simm.s32 @p1 $0x1;
	p0 =	seq.s32 s7, s2  }
0x1e: {  	s7 =	smul.u32 @!p0 $0xF7A, s2;
	p2 =	seq.s32 @!p0 s5, $0x0  }
0x1f: {  	s9 =	smul.u32 $0xF7A, s1;
	s8 =	simm.s32 @!p0 $0x1BF5;
	p2 =	por !p2, p0  }
0x20: {  	[sflag:s8] =	ssyncset.s32 @!p0 $0xFFFFF086;
	s6 =	sadd.s32 @!p0 s3, s7;
	s7 =	simm.s32 @!p0 $0x108  }
0x21: {  	s3 =	sadd.s32 s3, s9;
	s6 =	sadd.s32 @!p0 $0x88, s6;
	s7 =	simm.s32 @p2 $0x1082  }
0x22: {  	[simem:s7], [sflag:s8] =	dma.local @!p0 [hbm:s6], $0xF7A  }
0x23: {  	s9 =	sor.u32 $0xD0000000, s2;
	s6 =	simm.s32 $0x108;
	_ =	swait.ge @!p0 [sflag:s8], $0x0  }
0x24: {  	s3 =	sadd.s32 $0x88, s3;
	s6 =	simm.s32 @!p1 $0x1082;
	[sflag:s4] =	ssyncset.s32 $0xFFFFF086  }
0x25: {  	[simem:s6], [sflag:s4] =	dma.local [hbm:s3], $0xF7A  }
0x26: {  	[smem:$0x3F9D] =	sst s1;
	(tag) =	ssettag s2;
	_ =	strace s9  }
0x27: {  	s1 =	sld [smem:$0x3FAD]  }
0x28: {  	s2 =	sld [smem:$0x3FAE]  }
0x29: {  	s4 =	sld [smem:$0x3FB0]  }
0x2a: {  	p0 =	seq.s32 s5, $0x0;
	s5 =	sld [smem:$0x3FB1]  }
0x2b: {  	s6 =	sld [smem:$0x3FB2]  }
0x2c: {  	s7 =	sld [smem:$0x3FB3]  }
0x2d: {  	s3 =	simm.s32 $0x108;
	s8 =	sld [smem:$0x3FB4]  }
0x2e: {  	s3 =	simm.s32 @!p0 $0x1082;
	s9 =	sld [smem:$0x3FB5]  }
0x2f: {  	lr =	sadd.s32 s0, s3;
	s0 =	sld [smem:$0x3FAC]  }
0x30: {  	s3 =	sld [smem:$0x3FAF]  }
0x31: {  	[smem:$0x3FB8] =	sst s10  }
0x32: {  	s10 =	sld [smem:$0x3FB6];
	_ =	sdelay $0x3  }
0x33: {  	p0 =	seq.s32 s10, $0x1;
	s10 =	sld [smem:$0x3FB8];
	_ =	sdelay $0x3  }
0x34: {  	[smem:$0x3FB8] =	sst s10  }
0x35: {  	s10 =	sld [smem:$0x3FB7];
	_ =	sdelay $0x3  }
0x36: {  	p1 =	seq.s32 s10, $0x1;
	s10 =	sld [smem:$0x3FB8];
	_ =	sdelay $0x3  }
0x37: {  	[smem:$0x3FB8] =	sst s10  }
0x38: {  	s10 =	sld [smem:$0x3FB9]  }
0x39: {  	_ = 	snop;
	(pc) =	sbr.ind lr, $3  }
0x3a: {  	_ = 	snop  }
0x3b: {  	_ = 	snop  }
0x3c: {  	p2 =	seq.s32 s10, $0x1;
	s10 =	sld [smem:$0x3FB8]  }
0x3d: {  	_ =	shalt  }
0x3e: {  	_ =	shalt  }
0x3f: {  	_ =	shalt  }
0x40: {  	_ =	shalt  }
0x41: {  	_ =	shalt  }
0x42: {  	_ =	shalt  }
0x43: {  	_ =	shalt  }
0x44: {  	_ =	shalt  }
0x45: {  	_ =	shalt  }
0x46: {  	_ =	shalt  }
0x47: {  	_ =	shalt  }
0x48: {  	_ =	shalt  }
0x49: {  	_ =	shalt  }
0x4a: {  	_ =	shalt  }
0x4b: {  	_ =	shalt  }
0x4c: {  	_ =	shalt  }
0x4d: {  	_ =	shalt  }
0x4e: {  	_ =	shalt  }
0x4f: {  	_ =	shalt  }
0x50: {  	_ =	shalt  }
0x51: {  	_ =	shalt  }
0x52: {  	_ =	shalt  }
0x53: {  	_ =	shalt  }
0x54: {  	_ =	shalt  }
0x55: {  	_ =	shalt  }
0x56: {  	_ =	shalt  }
0x57: {  	_ =	shalt  }
0x58: {  	_ =	shalt  }
0x59: {  	_ =	shalt  }
0x5a: {  	_ =	shalt  }
0x5b: {  	_ =	shalt  }
0x5c: {  	_ =	shalt  }
0x5d: {  	_ =	shalt  }
0x5e: {  	_ =	shalt  }
0x5f: {  	_ =	shalt  }
0x60: {  	_ =	shalt  }
0x61: {  	_ =	shalt  }
0x62: {  	_ =	shalt  }
0x63: {  	_ =	shalt  }
0x64: {  	_ =	shalt  }
0x65: {  	_ =	shalt  }
0x66: {  	_ =	shalt  }
0x67: {  	_ =	shalt  }
0x68: {  	_ =	shalt  }
0x69: {  	_ =	shalt  }
0x6a: {  	_ =	shalt  }
0x6b: {  	_ =	shalt  }
0x6c: {  	_ =	shalt  }
0x6d: {  	_ =	shalt  }
0x6e: {  	_ =	shalt  }
0x6f: {  	_ =	shalt  }
0x70: {  	_ =	shalt  }
0x71: {  	_ =	shalt  }
0x72: {  	_ =	shalt  }
0x73: {  	_ =	shalt  }
0x74: {  	_ =	shalt  }
0x75: {  	_ =	shalt  }
0x76: {  	_ =	shalt  }
0x77: {  	_ =	shalt  }
0x78: {  	_ =	shalt  }
0x79: {  	_ =	shalt  }
0x7a: {  	_ =	shalt  }
0x7b: {  	_ =	shalt  }
0x7c: {  	_ =	shalt  }
0x7d: {  	_ =	shalt  }
0x7e: {  	_ =	shalt  }
0x7f: {  	_ =	shalt  }
0x80: {  	_ =	shalt  }
0x81: {  	_ =	shalt  }
0x82: {  	_ =	shalt  }
0x83: {  	_ =	shalt  }
0x84: {  	_ =	shalt  }
0x85: {  	_ =	shalt  }
0x86: {  	_ =	shalt  }
0x87: {  	_ =	shalt  }
.Lfunc_end0:
.L_simem_size_0:
called_computation_lowered:
.L_overlay_start_0:
0x88: {  	s2 =	sld [smem:$0x3FD9]  }
0x89: {  	s3 =	sld [smem:$0x3FFE];
	_ =	sdelay $0x1  }
0x8a: {  	s1 =	srdreg.scid  }
0x8b: {  	s0 =	sand.u32 $0x1, s1  }
0x8c: {  	s17 =	sshll.u32 s0, $0xA;
	s2 =	sadd.s32 s3, s2  }
0x8d: {  	s2 =	sadd.s32 s2, s17  }
0x8e: {  	[smem:$0x3FC4] =	sst s2  }
0x8f: {  	_ = 	snop  }
0x90: {  	s2 =	sld [smem:$0x3FC9]  }
0x91: {  	s18 =	sld [smem:$0x3FC8]  }
0x92: {  	s4 =	sld [smem:$0x3FC7]  }
0x93: {  	s5 =	sld [smem:$0x3FC6];
	(tm) =	ssettm $0x1  }
0x94: {  	s6 =	sld [smem:$0x3FFB];
	_ =	sdelay $0x3  }
0x95: {  	_ =	strace s6  }
0x96: {  	s6 =	sld [smem:$0x3FFC];
	_ =	sdelay $0x3  }
0x97: {  	_ =	strace s6  }
0x98: {  	s6 =	sld [smem:$0x3FFD];
	_ =	sdelay $0x3  }
0x99: {  	_ =	strace s6  }
0x9a: {  	_ =	strace $0x8FFFFFFF  }
0x9b: {  	s19 =	sld [smem:$0x3FDB];
	_ =	sdelay $0x1  }
0x9c: {  	s7 =	simm.s32 $_scs_section_size  }
0x9d: {  	s8 =	simm.s32 $_size__tile_overlayer_lowered;
	s9 =	simm.s32 $_tile_overlayer_lowered  }
0x9e: {  	s22 =	simm.s32 $0x1BFF;
	s21 =	sshll.u32 s9, $0x1;
	s6 =	sadd.s32 s7, s19  }
0x9f: {  	s10 =	simm.s32 $0x0;
	s20 =	sshll.u32 s8, $0x1;
	s8 =	sadd.s32 s21, s6  }
0xa0: {  	[timem:s10], [sflag:s22] =	dma.local [hbm:s8], s20  }
0xa1: {  	_ =	swait.ge [sflag:s22], s20  }
0xa2: {  	s7 =	ssub.s32 $0x0, s20;
	[sflag:s22] =	ssyncset.done $0x0  }
0xa3: {  	[sflag:s22] =	ssyncadd.s32 s7;
	_ =	sdelay $0x1  }
0xa4: {  	s23 =	simm.s32 $0x1B8B  }
0xa5: {  	_ =	swait.ge [sflag:s23], $0x1  }
0xa6: {  	[sflag:s23] =	ssyncset.done $0x0  }
0xa7: {  	s25 =	simm.s32 $0x1B8E;
	s24 =	sld [smem:$0x3FFE];
	[sflag:s23] =	ssyncadd.s32 $0xFFFFFFFF  }
0xa8: {  	s26 =	simm.s32 $execute0_lowered;
	[smem:$0x3FD2] =	sst s25  }
0xa9: {  	s8 =	sshll.u32 s26, $0x1;
	_ =	strace $0x80000046;
	[dreg:$0x1] =	wrdreg $0xFFFFFFFF  }
0xaa: {  	s28 =	simm.s32 $_size_execute0_lowered;
	s6 =	sadd.s32 s6, s8;
	[dreg:$0x0] =	wrdreg $0x0  }
0xab: {  	s8 =	sshll.u32 s28, $0x1;
	[dreg:$0x2] =	wrdreg s6  }
0xac: {  	[dreg:$0x3] =	wrdreg s8  }
0xad: {  	[dreg:$0x4] =	wrdreg $0xC0  }
0xae: {  	_ =	task [dreg:s10], $0x5FFFF  }
0xaf: {  	[dreg:$0x1] =	wrdreg $0xFFFFFFFF  }
0xb0: {  	[dreg:$0x0] =	wrdreg $0x60  }
0xb1: {  	[dreg:$0x2] =	wrdreg s2  }
0xb2: {  	[dreg:$0x3] =	wrdreg s18  }
0xb3: {  	[dreg:$0x4] =	wrdreg s4  }
0xb4: {  	[dreg:$0x5] =	wrdreg s5  }
0xb5: {  	[dreg:$0x6] =	wrdreg s24  }
0xb6: {  	[dreg:$0x7] =	wrdreg $0x9  }
0xb7: {  	_ =	task.clear_ibuf [dreg:s10], $0x8FFFF;
	_ =	strace $0x90000046  }
0xb8: {  	s29 =	simm.s32 $0x9;
	_ =	strace $0x80000048  }
0xb9: {  	_ =	swait.ge [sflag:s29], $0x1  }
0xba: {  	[sflag:s29] =	ssyncadd.s32 $0xFFFFFFFF  }
0xbb: {  	_ =	strace $0x90000048  }
0xbc: {  	_ =	sfence  }
0xbd: {  	s30 =	sld [smem:$0x0];
	_ =	sdelay $0x2  }
0xbe: {  	s31 =	sshll.u32 s1, $0xD;
	s1 =	sshrl.u32 s1, $0x2  }
0xbf: {  	s3 =	sand.u32 $0x4000, s31;
	s1 =	sadd.s32 s1, s30  }
0xc0: {  	s0 =	sor.u32 s3, s0;
	s1 =	sshll.u32 s1, $0x11  }
0xc1: {  	s0 =	sor.u32 s1, s0  }
0xc2: {  	s0 =	sadd.s32 $0x8F2B, s0  }
0xc3: {  	[sflag:s0] =	ssyncadd.remote.s32 $0x1  }
0xc4: {  	_ =	sfence.sel $0xFFFF  }
0xc5: {  	[dreg:$0x0] =	wrdreg $0xFFFFFFFF;
	(pc) =	sbr.abs _section_cstart, $3  }
0xc6: {  	[dreg:$0x1] =	wrdreg $0xFFFFFFFF  }
0xc7: {  	_ =	task.clear_ibuf [dreg:s10], $0x2FFFF;
	_ =	strace $0x9FFFFFFF  }
0xc8: {  	(tm) =	ssettm $0x7FFFFFFF  }
0xc9: {  	_ =	shalt  }
tec
execute0_lowered:
.L_overlay_start_1:
0x0: {  	(tag) =	ssettag $0x1  }
0x1: {  	s1 =	rddreg [dreg:$0x0]  }
0x2: {  	s6 =	rddreg [dreg:$0x1]  }
0x3: {  	s4 =	rddreg [dreg:$0x2]  }
0x4: {  	s5 =	rddreg [dreg:$0x3]  }
0x5: {  	s7 =	rddreg [dreg:$0x4];
	s3 =	srdreg.scid  }
0x6: {  	s0 =	rddreg [dreg:$0x5];
	s2 =	stileid.u32;
	s13 =	simm.s32 $0x600  }
0x7: {  	s14 =	simm.s32 $0x800;
	s15 =	simm.s32 $0x2;
	s16 =	simm.s32 $0x1  }
0x8: {  	s17 =	simm.s32 $0xA00;
	s18 =	simm.s32 $0x0;
	s8 =	sand.u32 $0x1, s3  }
0x9: {  	s3 =	simm.s32 $0x0;
	s10 =	sshll.u32 s2, $0x1;
	s31 =	sshll.u32 s2, $0xA  }
0xa: {  	s9 =	ssub.s32 $0x2, s8;
	[smem:$0x7FF] =	sst s3;
	s10 =	sor.u32 s8, s10  }
0xb: {  	s12 =	sshll.u32 s8, $0x9;
	s11 =	sshrl.u32 s9, $0x1;
	_ =	strace $0x80000047  }
0xc: {  	s30 =	sshll.u32 s10, $0x6;
	s10 =	sshll.u32 s10, $0x4;
	s9 =	ssub.s32 s9, s11  }
0xd: {  	s4 =	sadd.s32 s4, s30;
	s5 =	sadd.s32 s5, s30;
	s6 =	sadd.s32 s6, s30  }
0xe: {  	s7 =	sadd.s32 s7, s10;
	s10 =	simm.s32 $0x200;
	s11 =	simm.s32 $0x400  }
0xf: {  	v0 =	vlaneseq.u32;
	s8 =	smax.u32 s9, $0x1;
	s9 =	sor.u32 s12, s31;
	s12 =	simm.s32 $0x3  }
.LBB2_1:
0x10: {  	[tilespmem:s10], [sflag:$0x2] =	stream.linear.gather [hbm4b:s4+s3], $0x200, $0x38;
	[tilespmem:$0xA80] =	vst v63  }
0x11: {  	_ = 	snop  }
0x12: {  	[tilespmem:s11], [sflag:$0x2] =	stream.linear.gather [hbm4b:s5+s3], $0x200, $0x38;
	[tilespmem:$0xA80] =	vst v63  }
0x13: {  	_ = 	snop  }
0x14: {  	[tilespmem:s3], [sflag:$0x3] =	stream.linear.gather [hbm4b:s6+s3], $0x200, $0x38;
	[tilespmem:$0xA80] =	vst v63  }
0x15: {  	_ =	swait.ge [sflag:s12], $0x200  }
0x16: {  	[sflag:s12] =	ssyncset.done $0x0  }
0x17: {  	s19 =	simm.s32 $0x0;
	[sflag:s12] =	ssyncadd.s32 $0xFFFFFE00  }
0x18: {  	v1 =	vld [tilespmem:s19+$0x0];
	_ =	sdelay $0x3  }
0x19: {  	v2 =	vmov s9  }
0x1a: {  	v2 =	vshrl.u32 v2, $0x4;
	v3 =	vshll.u32 v1, $0x7  }
0x1b: {  	v2 =	vand.u32 $0x1FFFFF8, v2;
	v3 =	vand.u32 $0x1FFFC00, v3  }
0x1c: {  	v1 =	vand.u32 $0x7, v1;
	v2 =	vadd.s32 v2, v3  }
0x1d: {  	s20 =	simm.s32 $0x10;
	v1 =	vor.u32 v1, v2  }
0x1e: {  	v2 =	vshll.u32 v1, $0x7;
	v1 =	vld [tilespmem:s20+$0x0];
	_ =	sdelay $0x1  }
0x1f: {  	v3 =	vor.u32 s9, v0  }
0x20: {  	s21 =	sadd.s32 $0x10, s9;
	v4 =	vand.u32 $0x7F, v3  }
0x21: {  	s22 =	simm.s32 $0x80;
	v3 =	vmov s21;
	v2 =	vor.u32 v4, v2  }
.LBB2_2:
0x22: {  	s23 =	sshra.s32 s22, $0x2;
	p0 =	sne.s32 s22, $0x7C0;
	s22 =	sadd.s32 $0x40, s22;
	v4 =	vshll.u32 v1, $0x7;
	v3 =	vshrl.u32 v3, $0x4;
	[tilespmem:s19+$0x600] =	vst v2;
	v2 =	vmov v1  }
.Ltmp0:
0x23: {  	s19 =	smov.u32 s20;
	v1 =	vld [tilespmem:s23+$0x0];
	v4 =	vand.u32 $0x1FFFC00, v4;
	v3 =	vand.u32 $0x1FFFFF8, v3;
	s20 =	smov.u32 s23;
	(pc) =	sbr.rel @p0 .LBB2_2-.Ltmp0, $4  }
0x24: {  	v2 =	vand.u32 $0x7, v2;
	v3 =	vadd.s32 v3, v4  }
0x25: {  	v4 =	vor.u32 s21, v0;
	v2 =	vor.u32 v2, v3  }
0x26: {  	s21 =	sadd.s32 $0x10, s21;
	v4 =	vand.u32 $0x7F, v4;
	v2 =	vshll.u32 v2, $0x7  }
0x27: {  	v3 =	vmov s21;
	v2 =	vor.u32 v4, v2  }
0x28: {  	v4 =	vshll.u32 v1, $0x7;
	v3 =	vshrl.u32 v3, $0x4  }
0x29: {  	v4 =	vand.u32 $0x1FFFC00, v4;
	v3 =	vand.u32 $0x1FFFFF8, v3  }
0x2a: {  	v1 =	vand.u32 $0x7, v1;
	v3 =	vadd.s32 v3, v4  }
0x2b: {  	v4 =	vor.u32 s21, v0;
	v1 =	vor.u32 v1, v3  }
0x2c: {  	v3 =	vand.u32 $0x7F, v4;
	v1 =	vshll.u32 v1, $0x7  }
0x2d: {  	[tilespmem:s19+$0x600] =	vst v2;
	v1 =	vor.u32 v3, v1  }
0x2e: {  	[tilespmem:s20+$0x600] =	vst v1  }
0x2f: {  	[tilespmem:s14], [sflag:$0x1] =	stream.indirect.gather [hbm4b:s1+s10], $0x1, s13, s10, $0xb8;
	[tilespmem:$0xA80] =	vst v63  }
0x30: {  	_ =	swait.ge [sflag:s15], $0x200  }
0x31: {  	[sflag:s15] =	ssyncset.done $0x0  }
0x32: {  	[sflag:s15] =	ssyncadd.s32 $0xFFFFFE00  }
0x33: {  	_ =	swait.ge [sflag:s15], $0x200  }
0x34: {  	[sflag:s15] =	ssyncset.done $0x0  }
0x35: {  	[sflag:s15] =	ssyncadd.s32 $0xFFFFFE00  }
0x36: {  	_ =	swait.ge [sflag:s16], $0x200  }
0x37: {  	[sflag:s16] =	ssyncset.done $0x0  }
0x38: {  	s30 =	simm.s32 $0x0;
	[sflag:s16] =	ssyncadd.s32 $0xFFFFFE00  }
0x39: {  	v1 =	vld [tilespmem:s30+$0x400];
	_ =	sdelay $0x4  }
0x3a: {  	s31 =	simm.s32 $0x10;
	(erf) = vrcp.f32 v1  }
0x3b: {  	v3 =	vld [tilespmem:s31+$0x400];
	_ =	sdelay $0x1  }
0x3c: {  	v1 =	vld [tilespmem:s30+$0x200];
	_ =	sdelay $0x1  }
0x3d: {  	v4 =	vld [tilespmem:s30+$0x800]  }
0x3e: {  	s19 =	simm.s32 $0x20;
	(erf) = vrcp.f32 v3  }
0x3f: {  	v2 =	vld [tilespmem:s19+$0x400]  }
0x40: {  	v5 =	vsub.f32 $0.0e+00, v1  }
0x41: {  	v3 =	vld [tilespmem:s31+$0x200];
	v6 =	vpop (erf)  }
0x42: {  	v5 =	vadd.f32 $-8.999999760e-01, v5;
	v6 =	vmul.f32 v6, v4  }
0x43: {  	s20 =	simm.s32 $0xC0;
	v1 =	vimm.f32 $0.0e+00;
	v4 =	vld [tilespmem:s31+$0x800]  }
.LBB2_4:
0x44: {  	s21 =	sshra.s32 s20, $0x2;
	p0 =	sne.s32 s20, $0x7C0;
	s20 =	sadd.s32 $0x40, s20;
	(erf) = vrcp.f32 v2;
	v5 =	vmul.f32 v6, v5  }
.Ltmp1:
0x45: {  	v2 =	vld [tilespmem:s21+$0x400];
	(pc) =	sbr.rel @p0 .LBB2_4-.Ltmp1, $4  }
0x46: {  	v6 =	vsub.f32 $0.0e+00, v3;
	v1 =	vadd.f32 v5, v1  }
0x47: {  	v3 =	vld [tilespmem:s19+$0x200];
	v7 =	vpop (erf)  }
0x48: {  	v5 =	vadd.f32 $-8.999999760e-01, v6;
	v6 =	vmul.f32 v7, v4  }
0x49: {  	v4 =	vld [tilespmem:s19+$0x800];
	s19 =	smov.u32 s21  }
0x4a: {  	(erf) = vrcp.f32 v2;
	_ =	sdelay $0x2  }
0x4b: {  	v2 =	vld [tilespmem:s19+$0x200];
	_ =	sdelay $0x1  }
0x4c: {  	v7 =	vld [tilespmem:s19+$0x800]  }
0x4d: {  	v3 =	vsub.f32 $0.0e+00, v3  }
0x4e: {  	v5 =	vmul.f32 v6, v5;
	v61 =	vpop (erf)  }
0x4f: {  	v4 =	vmul.f32 v61, v4;
	v3 =	vadd.f32 $-8.999999760e-01, v3;
	v2 =	vsub.f32 $0.0e+00, v2  }
0x50: {  	v1 =	vadd.f32 v5, v1;
	v62 =	vpop (erf)  }
0x51: {  	v3 =	vmul.f32 v4, v3;
	v2 =	vadd.f32 $-8.999999760e-01, v2;
	v63 =	vmul.f32 v62, v7;
	_ =	sdelay $0x1  }
0x52: {  	v1 =	vadd.f32 v3, v1;
	v2 =	vmul.f32 v63, v2;
	_ =	sdelay $0x1  }
0x53: {  	v1 =	vadd.f32 v2, v1;
	_ =	sdelay $0x1  }
0x54: {  	s18 =	sadd.s32 $0x1, s18;
	v1 =	vmul.f32 $6.103515630e-05, v1  }
0x55: {  	p0 =	sne.s32 s18, s8  }
.Ltmp2:
0x56: {  	[tilespmem:$0xA00] =	vst v1;
	(pc) =	sbr.rel @p0 .LBB2_1-.Ltmp2, $4  }
0x57: {  	[hbm4b:s7+s3] =	stream.linear.scatter [tilespmem:s17], [sflag:$0x3], $0x80, $0x38;
	[tilespmem:$0xA80] =	vst v63  }
0x58: {  	_ =	swait.ge [sflag:s12], $0x80  }
0x59: {  	[sflag:s12] =	ssyncset.done $0x0  }
0x5a: {  	[sflag:s12] =	ssyncadd.s32 $0xFFFFFF80  }
0x5b: {  	_ =	sfence.sel $0x180000  }
0x5c: {  	[bflag:$0x0] =	sbarrier.arrive $0xFFFF  }
0x5d: {  	p0 =	sne.s32 s2, $0x0;
	_ =	strace $0x90000047  }
0x5e: {  	s0 =	sadd.s32 @!p0 $0x100000, s0;
	[bflag:$0x2] =	sbarrier.arrive $0xFFFF  }
0x5f: {  	[sflag:s0] =	ssyncadd.tile.s32 @!p0 $0x1;
	_ =	shalt  }
.Lfunc_end2:
_tile_overlayer_lowered:
.L_overlay_start_2:
0x60: {  	(tag) =	ssettag $0x2  }
0x61: {  	s0 =	rddreg [dreg:$0x0];
	s2 =	stileid.u32  }
0x62: {  	s1 =	rddreg [dreg:$0x1];
	p0 =	sne.s32 s2, $0x0  }
0x63: {  	s3 =	rddreg [dreg:$0x2];
	[bflag:$0x3] =	sbarrier.arrive $0xFFFF;
	s2 =	simm.s32 @!p0 $0x1C03  }
0x64: {  	[timem:s3], [sflag:s2] =	dma.local @!p0 [hbm:s0], s1  }
0x65: {  	s0 =	simm.s32 @!p0 $0x3  }
0x66: {  	_ =	swait.ge @!p0 [sflag:s0], s1  }
0x67: {  	s1 =	ssub.s32 @!p0 $0x0, s1;
	[sflag:s0] =	ssyncset.done @!p0 $0x0  }
0x68: {  	[sflag:s0] =	ssyncadd.s32 @!p0 s1  }
0x69: {  	[bflag:$0x3] =	sbarrier.arrive $0xFFFF  }
0x6a: {  	_ =	shalt  }

</sc_bundles>
